<compile_context>
chip_gen: v7x
topology: tpu7x:2x2x1
jax: 0.10.2.dev20260603
libtpu: 0.0.44.dev20260713+nightly
codegen_flags: <defaults>
</compile_context>

<pallas_src>
import functools

import jax
import jax.numpy as jnp
from jax import lax
from jax.experimental import pallas as pl
from jax.experimental.pallas import tpu as pltpu
from jax.experimental.pallas import tpu_sc as plsc

_INSTANCE_COL = 13
_L = 16
_NC = 2
_NS = 16
_NW = _NC * _NS


@functools.lru_cache(maxsize=None)
def _build(B, F):
    b_per_w = B // _NW
    mesh = plsc.VectorSubcoreMesh(core_axis_name="c", subcore_axis_name="s")

    @functools.partial(
        pl.kernel,
        out_type=jax.ShapeDtypeStruct((F, B), jnp.float32),
        mesh=mesh,
        compiler_params=pltpu.CompilerParams(needs_layout_passes=False),
        scratch_types=[
            pltpu.VMEM((F, b_per_w), jnp.float32),
            pltpu.VMEM((b_per_w,), jnp.float32),
            pltpu.VMEM((b_per_w,), jnp.int32),
            pltpu.VMEM((b_per_w,), jnp.float32),
            pltpu.SemaphoreType.DMA,
            pltpu.SemaphoreType.DMA,
        ],
    )
    def k(feats_hbm, table_hbm, out_hbm, stage_v, ids_v, idx_v, vals_v, sem, sem_bulk):
        wid = lax.axis_index("s") * _NC + lax.axis_index("c")
        cs = wid * b_per_w
        cols = pl.ds(cs, b_per_w)
        pltpu.sync_copy(feats_hbm.at[:, cols], stage_v)
        for j in range(b_per_w // _L):
            sl = pl.ds(j * _L, _L)
            idx_v[sl] = stage_v[_INSTANCE_COL, sl].astype(jnp.int32)
        pltpu.async_copy(table_hbm.at[idx_v], vals_v, sem).wait()
        for j in range(b_per_w // _L):
            sl = pl.ds(j * _L, _L)
            stage_v[_INSTANCE_COL, sl] = vals_v[sl]
        pltpu.sync_copy(stage_v, out_hbm.at[:, cols])

    return k


def kernel(self_feats, emb_table):
    B, F = self_feats.shape
    out_t = _build(B, F)(self_feats.T, emb_table.reshape(-1))
    return out_t.T

# --- scband reference (transcript-rebuilt; emitter-appended) ---
"""Pipeline reference for scband-embedder-65566970740939 (READ-ONLY COPY).

The authoritative reference and input builder live on the scoring server;
editing this copy changes nothing except your own understanding.
"""

import jax, jax.numpy as jnp
import numpy as np

INSTANCE_IDX = 13
INPUT_DIM = 100000
BATCH = 16384
N_FEATS = 26

def setup_inputs(seed: int = 0) -> dict:
    key = jax.random.key(seed)
    k1, k2, k3 = jax.random.split(key, 3)
    self_feats = jax.random.uniform(k1, (BATCH, N_FEATS), dtype=jnp.float32)
    # The 'instance' column holds integer ids (stored as float, as in the TF module
    # where Embedding casts the float input to int for lookup).
    inst_ids = jax.random.randint(k3, (BATCH,), 0, INPUT_DIM).astype(jnp.float32)
    self_feats = self_feats.at[:, INSTANCE_IDX].set(inst_ids)
    # Embedding table: (input_dim, 1), matching tf.keras.layers.Embedding(input_dim, 1)
    emb_table = jax.random.normal(k2, (INPUT_DIM, 1), dtype=jnp.float32) * 0.05
    return {"self_feats": self_feats, "emb_table": emb_table}

def reference(self_feats, emb_table):
    # instance_idx = node_features.index('instance') -> constant 13
    idx = jax.lax.stop_gradient(self_feats[:, INSTANCE_IDX]).astype(jnp.int32)
    instances = jnp.take(emb_table, idx, axis=0)  # [B, 1] embedding gather
    out = jnp.concatenate(
        [self_feats[:, :INSTANCE_IDX], instances, self_feats[:, INSTANCE_IDX + 1:]],
        axis=1,
    )
    return out

if __name__ == "__main__":
    import jax
    _d = setup_inputs()
    print(jax.jit(kernel)(*tuple(_d.values())))

</pallas_src>

<mosaic_0001>
#map = affine_map<(d0, d1) -> (0, 0)>
#map1 = affine_map<(d0, d1) -> (0)>
module attributes {stable_mosaic.version = 14 : i64} {
  func.func @k(%arg0: i32, %arg1: i32, %arg2: memref<26x16384xf32, #tpu.memory_space<hbm>>, %arg3: memref<100000xf32, #tpu.memory_space<hbm>>, %arg4: memref<26x16384xf32, #tpu.memory_space<hbm>>, %arg5: memref<26x512xf32, #tpu.memory_space<vmem>>, %arg6: memref<512xf32, #tpu.memory_space<vmem>>, %arg7: memref<512xi32, #tpu.memory_space<vmem>>, %arg8: memref<512xf32, #tpu.memory_space<vmem>>, %arg9: memref<!tpu.dma_semaphore, #tpu.memory_space<semaphore_mem>>, %arg10: memref<!tpu.dma_semaphore, #tpu.memory_space<semaphore_mem>>) attributes {dimension_semantics = [#tpu.dimension_semantics<core_parallel>, #tpu.dimension_semantics<subcore_parallel>], iteration_bounds = array<i64: 2, 16>, scalar_prefetch = 0 : i64, scratch_operands = 6 : i64, tpu.core_type = #tpu.core_type<sc_vector_subcore>, window_params = [{transform_indices = #map}, {transform_indices = #map1}, {transform_indices = #map}]} {
    %mul3A = arith.constant 2 : i32
    %mul3A_0 = arith.muli %arg1, %mul3A : i32
    %add3A = arith.addi %mul3A_0, %arg0 : i32
    %mul3A_1 = arith.constant 512 : i32
    %mul3A_2 = arith.muli %add3A, %mul3A_1 : i32
    "tpu.region"() ({
      %run_scoped3A = tpu.sem_alloc : memref<!tpu.dma_semaphore, #tpu.memory_space<semaphore_mem>>
      %dma_start3A_418 = arith.constant 0 : i32
      %dma_start3A_419 = tpu.memref_slice %arg2[%dma_start3A_418, %mul3A_2] : memref<26x16384xf32, #tpu.memory_space<hbm>> -> memref<26x512xf32, #tpu.memory_space<hbm>>
      %dma_start3A_420 = arith.constant 0 : i32
      %dma_start3A_421 = tpu.memref_slice %arg2[%dma_start3A_420, %mul3A_2] : memref<26x16384xf32, #tpu.memory_space<hbm>> -> memref<26x512xf32, #tpu.memory_space<hbm>>
      tpu.enqueue_dma source(%dma_start3A_421 : memref<26x512xf32, #tpu.memory_space<hbm>>) target(%arg5 : memref<26x512xf32, #tpu.memory_space<vmem>>) target_semaphore(%run_scoped3A : memref<!tpu.dma_semaphore, #tpu.memory_space<semaphore_mem>>)
      %dma_wait3A_422 = arith.constant 0 : i32
      %dma_wait3A_423 = tpu.memref_slice %arg2[%dma_wait3A_422, %mul3A_2] : memref<26x16384xf32, #tpu.memory_space<hbm>> -> memref<26x512xf32, #tpu.memory_space<hbm>>
      %dma_wait3A_424 = arith.constant 0 : i32
      %dma_wait3A_425 = tpu.memref_slice %arg2[%dma_wait3A_424, %mul3A_2] : memref<26x16384xf32, #tpu.memory_space<hbm>> -> memref<26x512xf32, #tpu.memory_space<hbm>>
      tpu.wait_dma2 semaphore(%run_scoped3A : memref<!tpu.dma_semaphore, #tpu.memory_space<semaphore_mem>>) src(%dma_wait3A_425 : memref<26x512xf32, #tpu.memory_space<hbm>>) dst(%arg5 : memref<26x512xf32, #tpu.memory_space<vmem>>)
      tpu.yield
    }) : () -> ()
    %get3A = arith.constant 13 : i32
    %get3A_3 = arith.index_cast %get3A : i32 to index
    %get3A_4 = arith.constant 0 : index
    %get3A_5 = tpu.vector_load %arg5[%get3A_3, %get3A_4] {strides = array<i32>} : memref<26x512xf32, #tpu.memory_space<vmem>>, vector<16xf32>,
    %convert_element_type3A = arith.fptosi %get3A_5 : vector<16xf32> to vector<16xi32>
    %swap3A = arith.constant 0 : index
    %swap3A_6 = tpu.vector_load %arg7[%swap3A] {strides = array<i32>} : memref<512xi32, #tpu.memory_space<vmem>>, vector<16xi32>,
    tpu.vector_store %arg7[%swap3A], %convert_element_type3A {strides = array<i32>} : memref<512xi32, #tpu.memory_space<vmem>>, vector<16xi32>,
    %get3A_7 = arith.constant 13 : i32
    %get3A_8 = arith.index_cast %get3A_7 : i32 to index
    %get3A_9 = arith.constant 16 : index
    %get3A_10 = tpu.vector_load %arg5[%get3A_8, %get3A_9] {strides = array<i32>} : memref<26x512xf32, #tpu.memory_space<vmem>>, vector<16xf32>,
    %convert_element_type3A_11 = arith.fptosi %get3A_10 : vector<16xf32> to vector<16xi32>
    %swap3A_12 = arith.constant 16 : index
    %swap3A_13 = tpu.vector_load %arg7[%swap3A_12] {strides = array<i32>} : memref<512xi32, #tpu.memory_space<vmem>>, vector<16xi32>,
    tpu.vector_store %arg7[%swap3A_12], %convert_element_type3A_11 {strides = array<i32>} : memref<512xi32, #tpu.memory_space<vmem>>, vector<16xi32>,
    %get3A_14 = arith.constant 13 : i32
    %get3A_15 = arith.index_cast %get3A_14 : i32 to index
    %get3A_16 = arith.constant 32 : index
    %get3A_17 = tpu.vector_load %arg5[%get3A_15, %get3A_16] {strides = array<i32>} : memref<26x512xf32, #tpu.memory_space<vmem>>, vector<16xf32>,
    %convert_element_type3A_18 = arith.fptosi %get3A_17 : vector<16xf32> to vector<16xi32>
    %swap3A_19 = arith.constant 32 : index
    %swap3A_20 = tpu.vector_load %arg7[%swap3A_19] {strides = array<i32>} : memref<512xi32, #tpu.memory_space<vmem>>, vector<16xi32>,
    tpu.vector_store %arg7[%swap3A_19], %convert_element_type3A_18 {strides = array<i32>} : memref<512xi32, #tpu.memory_space<vmem>>, vector<16xi32>,
    %get3A_21 = arith.constant 13 : i32
    %get3A_22 = arith.index_cast %get3A_21 : i32 to index
    %get3A_23 = arith.constant 48 : index
    %get3A_24 = tpu.vector_load %arg5[%get3A_22, %get3A_23] {strides = array<i32>} : memref<26x512xf32, #tpu.memory_space<vmem>>, vector<16xf32>,
    %convert_element_type3A_25 = arith.fptosi %get3A_24 : vector<16xf32> to vector<16xi32>
    %swap3A_26 = arith.constant 48 : index
    %swap3A_27 = tpu.vector_load %arg7[%swap3A_26] {strides = array<i32>} : memref<512xi32, #tpu.memory_space<vmem>>, vector<16xi32>,
    tpu.vector_store %arg7[%swap3A_26], %convert_element_type3A_25 {strides = array<i32>} : memref<512xi32, #tpu.memory_space<vmem>>, vector<16xi32>,
    %get3A_28 = arith.constant 13 : i32
    %get3A_29 = arith.index_cast %get3A_28 : i32 to index
    %get3A_30 = arith.constant 64 : index
    %get3A_31 = tpu.vector_load %arg5[%get3A_29, %get3A_30] {strides = array<i32>} : memref<26x512xf32, #tpu.memory_space<vmem>>, vector<16xf32>,
    %convert_element_type3A_32 = arith.fptosi %get3A_31 : vector<16xf32> to vector<16xi32>
    %swap3A_33 = arith.constant 64 : index
    %swap3A_34 = tpu.vector_load %arg7[%swap3A_33] {strides = array<i32>} : memref<512xi32, #tpu.memory_space<vmem>>, vector<16xi32>,
    tpu.vector_store %arg7[%swap3A_33], %convert_element_type3A_32 {strides = array<i32>} : memref<512xi32, #tpu.memory_space<vmem>>, vector<16xi32>,
    %get3A_35 = arith.constant 13 : i32
    %get3A_36 = arith.index_cast %get3A_35 : i32 to index
    %get3A_37 = arith.constant 80 : index
    %get3A_38 = tpu.vector_load %arg5[%get3A_36, %get3A_37] {strides = array<i32>} : memref<26x512xf32, #tpu.memory_space<vmem>>, vector<16xf32>,
    %convert_element_type3A_39 = arith.fptosi %get3A_38 : vector<16xf32> to vector<16xi32>
    %swap3A_40 = arith.constant 80 : index
    %swap3A_41 = tpu.vector_load %arg7[%swap3A_40] {strides = array<i32>} : memref<512xi32, #tpu.memory_space<vmem>>, vector<16xi32>,
    tpu.vector_store %arg7[%swap3A_40], %convert_element_type3A_39 {strides = array<i32>} : memref<512xi32, #tpu.memory_space<vmem>>, vector<16xi32>,
    %get3A_42 = arith.constant 13 : i32
    %get3A_43 = arith.index_cast %get3A_42 : i32 to index
    %get3A_44 = arith.constant 96 : index
    %get3A_45 = tpu.vector_load %arg5[%get3A_43, %get3A_44] {strides = array<i32>} : memref<26x512xf32, #tpu.memory_space<vmem>>, vector<16xf32>,
    %convert_element_type3A_46 = arith.fptosi %get3A_45 : vector<16xf32> to vector<16xi32>
    %swap3A_47 = arith.constant 96 : index
    %swap3A_48 = tpu.vector_load %arg7[%swap3A_47] {strides = array<i32>} : memref<512xi32, #tpu.memory_space<vmem>>, vector<16xi32>,
    tpu.vector_store %arg7[%swap3A_47], %convert_element_type3A_46 {strides = array<i32>} : memref<512xi32, #tpu.memory_space<vmem>>, vector<16xi32>,
    %get3A_49 = arith.constant 13 : i32
    %get3A_50 = arith.index_cast %get3A_49 : i32 to index
    %get3A_51 = arith.constant 112 : index
    %get3A_52 = tpu.vector_load %arg5[%get3A_50, %get3A_51] {strides = array<i32>} : memref<26x512xf32, #tpu.memory_space<vmem>>, vector<16xf32>,
    %convert_element_type3A_53 = arith.fptosi %get3A_52 : vector<16xf32> to vector<16xi32>
    %swap3A_54 = arith.constant 112 : index
    %swap3A_55 = tpu.vector_load %arg7[%swap3A_54] {strides = array<i32>} : memref<512xi32, #tpu.memory_space<vmem>>, vector<16xi32>,
    tpu.vector_store %arg7[%swap3A_54], %convert_element_type3A_53 {strides = array<i32>} : memref<512xi32, #tpu.memory_space<vmem>>, vector<16xi32>,
    %get3A_56 = arith.constant 13 : i32
    %get3A_57 = arith.index_cast %get3A_56 : i32 to index
    %get3A_58 = arith.constant 128 : index
    %get3A_59 = tpu.vector_load %arg5[%get3A_57, %get3A_58] {strides = array<i32>} : memref<26x512xf32, #tpu.memory_space<vmem>>, vector<16xf32>,
    %convert_element_type3A_60 = arith.fptosi %get3A_59 : vector<16xf32> to vector<16xi32>
    %swap3A_61 = arith.constant 128 : index
    %swap3A_62 = tpu.vector_load %arg7[%swap3A_61] {strides = array<i32>} : memref<512xi32, #tpu.memory_space<vmem>>, vector<16xi32>,
    tpu.vector_store %arg7[%swap3A_61], %convert_element_type3A_60 {strides = array<i32>} : memref<512xi32, #tpu.memory_space<vmem>>, vector<16xi32>,
    %get3A_63 = arith.constant 13 : i32
    %get3A_64 = arith.index_cast %get3A_63 : i32 to index
    %get3A_65 = arith.constant 144 : index
    %get3A_66 = tpu.vector_load %arg5[%get3A_64, %get3A_65] {strides = array<i32>} : memref<26x512xf32, #tpu.memory_space<vmem>>, vector<16xf32>,
    %convert_element_type3A_67 = arith.fptosi %get3A_66 : vector<16xf32> to vector<16xi32>
    %swap3A_68 = arith.constant 144 : index
    %swap3A_69 = tpu.vector_load %arg7[%swap3A_68] {strides = array<i32>} : memref<512xi32, #tpu.memory_space<vmem>>, vector<16xi32>,
    tpu.vector_store %arg7[%swap3A_68], %convert_element_type3A_67 {strides = array<i32>} : memref<512xi32, #tpu.memory_space<vmem>>, vector<16xi32>,
    %get3A_70 = arith.constant 13 : i32
    %get3A_71 = arith.index_cast %get3A_70 : i32 to index
    %get3A_72 = arith.constant 160 : index
    %get3A_73 = tpu.vector_load %arg5[%get3A_71, %get3A_72] {strides = array<i32>} : memref<26x512xf32, #tpu.memory_space<vmem>>, vector<16xf32>,
    %convert_element_type3A_74 = arith.fptosi %get3A_73 : vector<16xf32> to vector<16xi32>
    %swap3A_75 = arith.constant 160 : index
    %swap3A_76 = tpu.vector_load %arg7[%swap3A_75] {strides = array<i32>} : memref<512xi32, #tpu.memory_space<vmem>>, vector<16xi32>,
    tpu.vector_store %arg7[%swap3A_75], %convert_element_type3A_74 {strides = array<i32>} : memref<512xi32, #tpu.memory_space<vmem>>, vector<16xi32>,
    %get3A_77 = arith.constant 13 : i32
    %get3A_78 = arith.index_cast %get3A_77 : i32 to index
    %get3A_79 = arith.constant 176 : index
    %get3A_80 = tpu.vector_load %arg5[%get3A_78, %get3A_79] {strides = array<i32>} : memref<26x512xf32, #tpu.memory_space<vmem>>, vector<16xf32>,
    %convert_element_type3A_81 = arith.fptosi %get3A_80 : vector<16xf32> to vector<16xi32>
    %swap3A_82 = arith.constant 176 : index
    %swap3A_83 = tpu.vector_load %arg7[%swap3A_82] {strides = array<i32>} : memref<512xi32, #tpu.memory_space<vmem>>, vector<16xi32>,
    tpu.vector_store %arg7[%swap3A_82], %convert_element_type3A_81 {strides = array<i32>} : memref<512xi32, #tpu.memory_space<vmem>>, vector<16xi32>,
    %get3A_84 = arith.constant 13 : i32
    %get3A_85 = arith.index_cast %get3A_84 : i32 to index
    %get3A_86 = arith.constant 192 : index
    %get3A_87 = tpu.vector_load %arg5[%get3A_85, %get3A_86] {strides = array<i32>} : memref<26x512xf32, #tpu.memory_space<vmem>>, vector<16xf32>,
    %convert_element_type3A_88 = arith.fptosi %get3A_87 : vector<16xf32> to vector<16xi32>
    %swap3A_89 = arith.constant 192 : index
    %swap3A_90 = tpu.vector_load %arg7[%swap3A_89] {strides = array<i32>} : memref<512xi32, #tpu.memory_space<vmem>>, vector<16xi32>,
    tpu.vector_store %arg7[%swap3A_89], %convert_element_type3A_88 {strides = array<i32>} : memref<512xi32, #tpu.memory_space<vmem>>, vector<16xi32>,
    %get3A_91 = arith.constant 13 : i32
    %get3A_92 = arith.index_cast %get3A_91 : i32 to index
    %get3A_93 = arith.constant 208 : index
    %get3A_94 = tpu.vector_load %arg5[%get3A_92, %get3A_93] {strides = array<i32>} : memref<26x512xf32, #tpu.memory_space<vmem>>, vector<16xf32>,
    %convert_element_type3A_95 = arith.fptosi %get3A_94 : vector<16xf32> to vector<16xi32>
    %swap3A_96 = arith.constant 208 : index
    %swap3A_97 = tpu.vector_load %arg7[%swap3A_96] {strides = array<i32>} : memref<512xi32, #tpu.memory_space<vmem>>, vector<16xi32>,
    tpu.vector_store %arg7[%swap3A_96], %convert_element_type3A_95 {strides = array<i32>} : memref<512xi32, #tpu.memory_space<vmem>>, vector<16xi32>,
    %get3A_98 = arith.constant 13 : i32
    %get3A_99 = arith.index_cast %get3A_98 : i32 to index
    %get3A_100 = arith.constant 224 : index
    %get3A_101 = tpu.vector_load %arg5[%get3A_99, %get3A_100] {strides = array<i32>} : memref<26x512xf32, #tpu.memory_space<vmem>>, vector<16xf32>,
    %convert_element_type3A_102 = arith.fptosi %get3A_101 : vector<16xf32> to vector<16xi32>
    %swap3A_103 = arith.constant 224 : index
    %swap3A_104 = tpu.vector_load %arg7[%swap3A_103] {strides = array<i32>} : memref<512xi32, #tpu.memory_space<vmem>>, vector<16xi32>,
    tpu.vector_store %arg7[%swap3A_103], %convert_element_type3A_102 {strides = array<i32>} : memref<512xi32, #tpu.memory_space<vmem>>, vector<16xi32>,
    %get3A_105 = arith.constant 13 : i32
    %get3A_106 = arith.index_cast %get3A_105 : i32 to index
    %get3A_107 = arith.constant 240 : index
    %get3A_108 = tpu.vector_load %arg5[%get3A_106, %get3A_107] {strides = array<i32>} : memref<26x512xf32, #tpu.memory_space<vmem>>, vector<16xf32>,
    %convert_element_type3A_109 = arith.fptosi %get3A_108 : vector<16xf32> to vector<16xi32>
    %swap3A_110 = arith.constant 240 : index
    %swap3A_111 = tpu.vector_load %arg7[%swap3A_110] {strides = array<i32>} : memref<512xi32, #tpu.memory_space<vmem>>, vector<16xi32>,
    tpu.vector_store %arg7[%swap3A_110], %convert_element_type3A_109 {strides = array<i32>} : memref<512xi32, #tpu.memory_space<vmem>>, vector<16xi32>,
    %get3A_112 = arith.constant 13 : i32
    %get3A_113 = arith.index_cast %get3A_112 : i32 to index
    %get3A_114 = arith.constant 256 : index
    %get3A_115 = tpu.vector_load %arg5[%get3A_113, %get3A_114] {strides = array<i32>} : memref<26x512xf32, #tpu.memory_space<vmem>>, vector<16xf32>,
    %convert_element_type3A_116 = arith.fptosi %get3A_115 : vector<16xf32> to vector<16xi32>
    %swap3A_117 = arith.constant 256 : index
    %swap3A_118 = tpu.vector_load %arg7[%swap3A_117] {strides = array<i32>} : memref<512xi32, #tpu.memory_space<vmem>>, vector<16xi32>,
    tpu.vector_store %arg7[%swap3A_117], %convert_element_type3A_116 {strides = array<i32>} : memref<512xi32, #tpu.memory_space<vmem>>, vector<16xi32>,
    %get3A_119 = arith.constant 13 : i32
    %get3A_120 = arith.index_cast %get3A_119 : i32 to index
    %get3A_121 = arith.constant 272 : index
    %get3A_122 = tpu.vector_load %arg5[%get3A_120, %get3A_121] {strides = array<i32>} : memref<26x512xf32, #tpu.memory_space<vmem>>, vector<16xf32>,
    %convert_element_type3A_123 = arith.fptosi %get3A_122 : vector<16xf32> to vector<16xi32>
    %swap3A_124 = arith.constant 272 : index
    %swap3A_125 = tpu.vector_load %arg7[%swap3A_124] {strides = array<i32>} : memref<512xi32, #tpu.memory_space<vmem>>, vector<16xi32>,
    tpu.vector_store %arg7[%swap3A_124], %convert_element_type3A_123 {strides = array<i32>} : memref<512xi32, #tpu.memory_space<vmem>>, vector<16xi32>,
    %get3A_126 = arith.constant 13 : i32
    %get3A_127 = arith.index_cast %get3A_126 : i32 to index
    %get3A_128 = arith.constant 288 : index
    %get3A_129 = tpu.vector_load %arg5[%get3A_127, %get3A_128] {strides = array<i32>} : memref<26x512xf32, #tpu.memory_space<vmem>>, vector<16xf32>,
    %convert_element_type3A_130 = arith.fptosi %get3A_129 : vector<16xf32> to vector<16xi32>
    %swap3A_131 = arith.constant 288 : index
    %swap3A_132 = tpu.vector_load %arg7[%swap3A_131] {strides = array<i32>} : memref<512xi32, #tpu.memory_space<vmem>>, vector<16xi32>,
    tpu.vector_store %arg7[%swap3A_131], %convert_element_type3A_130 {strides = array<i32>} : memref<512xi32, #tpu.memory_space<vmem>>, vector<16xi32>,
    %get3A_133 = arith.constant 13 : i32
    %get3A_134 = arith.index_cast %get3A_133 : i32 to index
    %get3A_135 = arith.constant 304 : index
    %get3A_136 = tpu.vector_load %arg5[%get3A_134, %get3A_135] {strides = array<i32>} : memref<26x512xf32, #tpu.memory_space<vmem>>, vector<16xf32>,
    %convert_element_type3A_137 = arith.fptosi %get3A_136 : vector<16xf32> to vector<16xi32>
    %swap3A_138 = arith.constant 304 : index
    %swap3A_139 = tpu.vector_load %arg7[%swap3A_138] {strides = array<i32>} : memref<512xi32, #tpu.memory_space<vmem>>, vector<16xi32>,
    tpu.vector_store %arg7[%swap3A_138], %convert_element_type3A_137 {strides = array<i32>} : memref<512xi32, #tpu.memory_space<vmem>>, vector<16xi32>,
    %get3A_140 = arith.constant 13 : i32
    %get3A_141 = arith.index_cast %get3A_140 : i32 to index
    %get3A_142 = arith.constant 320 : index
    %get3A_143 = tpu.vector_load %arg5[%get3A_141, %get3A_142] {strides = array<i32>} : memref<26x512xf32, #tpu.memory_space<vmem>>, vector<16xf32>,
    %convert_element_type3A_144 = arith.fptosi %get3A_143 : vector<16xf32> to vector<16xi32>
    %swap3A_145 = arith.constant 320 : index
    %swap3A_146 = tpu.vector_load %arg7[%swap3A_145] {strides = array<i32>} : memref<512xi32, #tpu.memory_space<vmem>>, vector<16xi32>,
    tpu.vector_store %arg7[%swap3A_145], %convert_element_type3A_144 {strides = array<i32>} : memref<512xi32, #tpu.memory_space<vmem>>, vector<16xi32>,
    %get3A_147 = arith.constant 13 : i32
    %get3A_148 = arith.index_cast %get3A_147 : i32 to index
    %get3A_149 = arith.constant 336 : index
    %get3A_150 = tpu.vector_load %arg5[%get3A_148, %get3A_149] {strides = array<i32>} : memref<26x512xf32, #tpu.memory_space<vmem>>, vector<16xf32>,
    %convert_element_type3A_151 = arith.fptosi %get3A_150 : vector<16xf32> to vector<16xi32>
    %swap3A_152 = arith.constant 336 : index
    %swap3A_153 = tpu.vector_load %arg7[%swap3A_152] {strides = array<i32>} : memref<512xi32, #tpu.memory_space<vmem>>, vector<16xi32>,
    tpu.vector_store %arg7[%swap3A_152], %convert_element_type3A_151 {strides = array<i32>} : memref<512xi32, #tpu.memory_space<vmem>>, vector<16xi32>,
    %get3A_154 = arith.constant 13 : i32
    %get3A_155 = arith.index_cast %get3A_154 : i32 to index
    %get3A_156 = arith.constant 352 : index
    %get3A_157 = tpu.vector_load %arg5[%get3A_155, %get3A_156] {strides = array<i32>} : memref<26x512xf32, #tpu.memory_space<vmem>>, vector<16xf32>,
    %convert_element_type3A_158 = arith.fptosi %get3A_157 : vector<16xf32> to vector<16xi32>
    %swap3A_159 = arith.constant 352 : index
    %swap3A_160 = tpu.vector_load %arg7[%swap3A_159] {strides = array<i32>} : memref<512xi32, #tpu.memory_space<vmem>>, vector<16xi32>,
    tpu.vector_store %arg7[%swap3A_159], %convert_element_type3A_158 {strides = array<i32>} : memref<512xi32, #tpu.memory_space<vmem>>, vector<16xi32>,
    %get3A_161 = arith.constant 13 : i32
    %get3A_162 = arith.index_cast %get3A_161 : i32 to index
    %get3A_163 = arith.constant 368 : index
    %get3A_164 = tpu.vector_load %arg5[%get3A_162, %get3A_163] {strides = array<i32>} : memref<26x512xf32, #tpu.memory_space<vmem>>, vector<16xf32>,
    %convert_element_type3A_165 = arith.fptosi %get3A_164 : vector<16xf32> to vector<16xi32>
    %swap3A_166 = arith.constant 368 : index
    %swap3A_167 = tpu.vector_load %arg7[%swap3A_166] {strides = array<i32>} : memref<512xi32, #tpu.memory_space<vmem>>, vector<16xi32>,
    tpu.vector_store %arg7[%swap3A_166], %convert_element_type3A_165 {strides = array<i32>} : memref<512xi32, #tpu.memory_space<vmem>>, vector<16xi32>,
    %get3A_168 = arith.constant 13 : i32
    %get3A_169 = arith.index_cast %get3A_168 : i32 to index
    %get3A_170 = arith.constant 384 : index
    %get3A_171 = tpu.vector_load %arg5[%get3A_169, %get3A_170] {strides = array<i32>} : memref<26x512xf32, #tpu.memory_space<vmem>>, vector<16xf32>,
    %convert_element_type3A_172 = arith.fptosi %get3A_171 : vector<16xf32> to vector<16xi32>
    %swap3A_173 = arith.constant 384 : index
    %swap3A_174 = tpu.vector_load %arg7[%swap3A_173] {strides = array<i32>} : memref<512xi32, #tpu.memory_space<vmem>>, vector<16xi32>,
    tpu.vector_store %arg7[%swap3A_173], %convert_element_type3A_172 {strides = array<i32>} : memref<512xi32, #tpu.memory_space<vmem>>, vector<16xi32>,
    %get3A_175 = arith.constant 13 : i32
    %get3A_176 = arith.index_cast %get3A_175 : i32 to index
    %get3A_177 = arith.constant 400 : index
    %get3A_178 = tpu.vector_load %arg5[%get3A_176, %get3A_177] {strides = array<i32>} : memref<26x512xf32, #tpu.memory_space<vmem>>, vector<16xf32>,
    %convert_element_type3A_179 = arith.fptosi %get3A_178 : vector<16xf32> to vector<16xi32>
    %swap3A_180 = arith.constant 400 : index
    %swap3A_181 = tpu.vector_load %arg7[%swap3A_180] {strides = array<i32>} : memref<512xi32, #tpu.memory_space<vmem>>, vector<16xi32>,
    tpu.vector_store %arg7[%swap3A_180], %convert_element_type3A_179 {strides = array<i32>} : memref<512xi32, #tpu.memory_space<vmem>>, vector<16xi32>,
    %get3A_182 = arith.constant 13 : i32
    %get3A_183 = arith.index_cast %get3A_182 : i32 to index
    %get3A_184 = arith.constant 416 : index
    %get3A_185 = tpu.vector_load %arg5[%get3A_183, %get3A_184] {strides = array<i32>} : memref<26x512xf32, #tpu.memory_space<vmem>>, vector<16xf32>,
    %convert_element_type3A_186 = arith.fptosi %get3A_185 : vector<16xf32> to vector<16xi32>
    %swap3A_187 = arith.constant 416 : index
    %swap3A_188 = tpu.vector_load %arg7[%swap3A_187] {strides = array<i32>} : memref<512xi32, #tpu.memory_space<vmem>>, vector<16xi32>,
    tpu.vector_store %arg7[%swap3A_187], %convert_element_type3A_186 {strides = array<i32>} : memref<512xi32, #tpu.memory_space<vmem>>, vector<16xi32>,
    %get3A_189 = arith.constant 13 : i32
    %get3A_190 = arith.index_cast %get3A_189 : i32 to index
    %get3A_191 = arith.constant 432 : index
    %get3A_192 = tpu.vector_load %arg5[%get3A_190, %get3A_191] {strides = array<i32>} : memref<26x512xf32, #tpu.memory_space<vmem>>, vector<16xf32>,
    %convert_element_type3A_193 = arith.fptosi %get3A_192 : vector<16xf32> to vector<16xi32>
    %swap3A_194 = arith.constant 432 : index
    %swap3A_195 = tpu.vector_load %arg7[%swap3A_194] {strides = array<i32>} : memref<512xi32, #tpu.memory_space<vmem>>, vector<16xi32>,
    tpu.vector_store %arg7[%swap3A_194], %convert_element_type3A_193 {strides = array<i32>} : memref<512xi32, #tpu.memory_space<vmem>>, vector<16xi32>,
    %get3A_196 = arith.constant 13 : i32
    %get3A_197 = arith.index_cast %get3A_196 : i32 to index
    %get3A_198 = arith.constant 448 : index
    %get3A_199 = tpu.vector_load %arg5[%get3A_197, %get3A_198] {strides = array<i32>} : memref<26x512xf32, #tpu.memory_space<vmem>>, vector<16xf32>,
    %convert_element_type3A_200 = arith.fptosi %get3A_199 : vector<16xf32> to vector<16xi32>
    %swap3A_201 = arith.constant 448 : index
    %swap3A_202 = tpu.vector_load %arg7[%swap3A_201] {strides = array<i32>} : memref<512xi32, #tpu.memory_space<vmem>>, vector<16xi32>,
    tpu.vector_store %arg7[%swap3A_201], %convert_element_type3A_200 {strides = array<i32>} : memref<512xi32, #tpu.memory_space<vmem>>, vector<16xi32>,
    %get3A_203 = arith.constant 13 : i32
    %get3A_204 = arith.index_cast %get3A_203 : i32 to index
    %get3A_205 = arith.constant 464 : index
    %get3A_206 = tpu.vector_load %arg5[%get3A_204, %get3A_205] {strides = array<i32>} : memref<26x512xf32, #tpu.memory_space<vmem>>, vector<16xf32>,
    %convert_element_type3A_207 = arith.fptosi %get3A_206 : vector<16xf32> to vector<16xi32>
    %swap3A_208 = arith.constant 464 : index
    %swap3A_209 = tpu.vector_load %arg7[%swap3A_208] {strides = array<i32>} : memref<512xi32, #tpu.memory_space<vmem>>, vector<16xi32>,
    tpu.vector_store %arg7[%swap3A_208], %convert_element_type3A_207 {strides = array<i32>} : memref<512xi32, #tpu.memory_space<vmem>>, vector<16xi32>,
    %get3A_210 = arith.constant 13 : i32
    %get3A_211 = arith.index_cast %get3A_210 : i32 to index
    %get3A_212 = arith.constant 480 : index
    %get3A_213 = tpu.vector_load %arg5[%get3A_211, %get3A_212] {strides = array<i32>} : memref<26x512xf32, #tpu.memory_space<vmem>>, vector<16xf32>,
    %convert_element_type3A_214 = arith.fptosi %get3A_213 : vector<16xf32> to vector<16xi32>
    %swap3A_215 = arith.constant 480 : index
    %swap3A_216 = tpu.vector_load %arg7[%swap3A_215] {strides = array<i32>} : memref<512xi32, #tpu.memory_space<vmem>>, vector<16xi32>,
    tpu.vector_store %arg7[%swap3A_215], %convert_element_type3A_214 {strides = array<i32>} : memref<512xi32, #tpu.memory_space<vmem>>, vector<16xi32>,
    %get3A_217 = arith.constant 13 : i32
    %get3A_218 = arith.index_cast %get3A_217 : i32 to index
    %get3A_219 = arith.constant 496 : index
    %get3A_220 = tpu.vector_load %arg5[%get3A_218, %get3A_219] {strides = array<i32>} : memref<26x512xf32, #tpu.memory_space<vmem>>, vector<16xf32>,
    %convert_element_type3A_221 = arith.fptosi %get3A_220 : vector<16xf32> to vector<16xi32>
    %swap3A_222 = arith.constant 496 : index
    %swap3A_223 = tpu.vector_load %arg7[%swap3A_222] {strides = array<i32>} : memref<512xi32, #tpu.memory_space<vmem>>, vector<16xi32>,
    tpu.vector_store %arg7[%swap3A_222], %convert_element_type3A_221 {strides = array<i32>} : memref<512xi32, #tpu.memory_space<vmem>>, vector<16xi32>,
    %dma_start3A = arith.constant 0 : i32
    %dma_start3A_224 = tpu.memref_slice %arg3[%dma_start3A] : memref<100000xf32, #tpu.memory_space<hbm>> -> memref<100000xf32, #tpu.memory_space<hbm>>
    tpu.enqueue_indirect_dma source(%dma_start3A_224 : memref<100000xf32, #tpu.memory_space<hbm>>) target(%arg8 : memref<512xf32, #tpu.memory_space<vmem>>) offsets(%arg7 : memref<512xi32, #tpu.memory_space<vmem>>) semaphore(%arg9 : memref<!tpu.dma_semaphore, #tpu.memory_space<semaphore_mem>>)
    %dma_wait3A = arith.constant 0 : i32
    %dma_wait3A_225 = tpu.memref_slice %arg3[%dma_wait3A] : memref<100000xf32, #tpu.memory_space<hbm>> -> memref<100000xf32, #tpu.memory_space<hbm>>
    tpu.wait_indirect_dma semaphore(%arg9 : memref<!tpu.dma_semaphore, #tpu.memory_space<semaphore_mem>>) src(%dma_wait3A_225 : memref<100000xf32, #tpu.memory_space<hbm>>) dst(%arg8 : memref<512xf32, #tpu.memory_space<vmem>>)
    %get3A_226 = arith.constant 0 : index
    %get3A_227 = tpu.vector_load %arg8[%get3A_226] {strides = array<i32>} : memref<512xf32, #tpu.memory_space<vmem>>, vector<16xf32>,
    %swap3A_228 = arith.constant 13 : i32
    %swap3A_229 = arith.index_cast %swap3A_228 : i32 to index
    %swap3A_230 = arith.constant 0 : index
    %swap3A_231 = tpu.vector_load %arg5[%swap3A_229, %swap3A_230] {strides = array<i32>} : memref<26x512xf32, #tpu.memory_space<vmem>>, vector<16xf32>,
    tpu.vector_store %arg5[%swap3A_229, %swap3A_230], %get3A_227 {strides = array<i32>} : memref<26x512xf32, #tpu.memory_space<vmem>>, vector<16xf32>,
    %get3A_232 = arith.constant 16 : index
    %get3A_233 = tpu.vector_load %arg8[%get3A_232] {strides = array<i32>} : memref<512xf32, #tpu.memory_space<vmem>>, vector<16xf32>,
    %swap3A_234 = arith.constant 13 : i32
    %swap3A_235 = arith.index_cast %swap3A_234 : i32 to index
    %swap3A_236 = arith.constant 16 : index
    %swap3A_237 = tpu.vector_load %arg5[%swap3A_235, %swap3A_236] {strides = array<i32>} : memref<26x512xf32, #tpu.memory_space<vmem>>, vector<16xf32>,
    tpu.vector_store %arg5[%swap3A_235, %swap3A_236], %get3A_233 {strides = array<i32>} : memref<26x512xf32, #tpu.memory_space<vmem>>, vector<16xf32>,
    %get3A_238 = arith.constant 32 : index
    %get3A_239 = tpu.vector_load %arg8[%get3A_238] {strides = array<i32>} : memref<512xf32, #tpu.memory_space<vmem>>, vector<16xf32>,
    %swap3A_240 = arith.constant 13 : i32
    %swap3A_241 = arith.index_cast %swap3A_240 : i32 to index
    %swap3A_242 = arith.constant 32 : index
    %swap3A_243 = tpu.vector_load %arg5[%swap3A_241, %swap3A_242] {strides = array<i32>} : memref<26x512xf32, #tpu.memory_space<vmem>>, vector<16xf32>,
    tpu.vector_store %arg5[%swap3A_241, %swap3A_242], %get3A_239 {strides = array<i32>} : memref<26x512xf32, #tpu.memory_space<vmem>>, vector<16xf32>,
    %get3A_244 = arith.constant 48 : index
    %get3A_245 = tpu.vector_load %arg8[%get3A_244] {strides = array<i32>} : memref<512xf32, #tpu.memory_space<vmem>>, vector<16xf32>,
    %swap3A_246 = arith.constant 13 : i32
    %swap3A_247 = arith.index_cast %swap3A_246 : i32 to index
    %swap3A_248 = arith.constant 48 : index
    %swap3A_249 = tpu.vector_load %arg5[%swap3A_247, %swap3A_248] {strides = array<i32>} : memref<26x512xf32, #tpu.memory_space<vmem>>, vector<16xf32>,
    tpu.vector_store %arg5[%swap3A_247, %swap3A_248], %get3A_245 {strides = array<i32>} : memref<26x512xf32, #tpu.memory_space<vmem>>, vector<16xf32>,
    %get3A_250 = arith.constant 64 : index
    %get3A_251 = tpu.vector_load %arg8[%get3A_250] {strides = array<i32>} : memref<512xf32, #tpu.memory_space<vmem>>, vector<16xf32>,
    %swap3A_252 = arith.constant 13 : i32
    %swap3A_253 = arith.index_cast %swap3A_252 : i32 to index
    %swap3A_254 = arith.constant 64 : index
    %swap3A_255 = tpu.vector_load %arg5[%swap3A_253, %swap3A_254] {strides = array<i32>} : memref<26x512xf32, #tpu.memory_space<vmem>>, vector<16xf32>,
    tpu.vector_store %arg5[%swap3A_253, %swap3A_254], %get3A_251 {strides = array<i32>} : memref<26x512xf32, #tpu.memory_space<vmem>>, vector<16xf32>,
    %get3A_256 = arith.constant 80 : index
    %get3A_257 = tpu.vector_load %arg8[%get3A_256] {strides = array<i32>} : memref<512xf32, #tpu.memory_space<vmem>>, vector<16xf32>,
    %swap3A_258 = arith.constant 13 : i32
    %swap3A_259 = arith.index_cast %swap3A_258 : i32 to index
    %swap3A_260 = arith.constant 80 : index
    %swap3A_261 = tpu.vector_load %arg5[%swap3A_259, %swap3A_260] {strides = array<i32>} : memref<26x512xf32, #tpu.memory_space<vmem>>, vector<16xf32>,
    tpu.vector_store %arg5[%swap3A_259, %swap3A_260], %get3A_257 {strides = array<i32>} : memref<26x512xf32, #tpu.memory_space<vmem>>, vector<16xf32>,
    %get3A_262 = arith.constant 96 : index
    %get3A_263 = tpu.vector_load %arg8[%get3A_262] {strides = array<i32>} : memref<512xf32, #tpu.memory_space<vmem>>, vector<16xf32>,
    %swap3A_264 = arith.constant 13 : i32
    %swap3A_265 = arith.index_cast %swap3A_264 : i32 to index
    %swap3A_266 = arith.constant 96 : index
    %swap3A_267 = tpu.vector_load %arg5[%swap3A_265, %swap3A_266] {strides = array<i32>} : memref<26x512xf32, #tpu.memory_space<vmem>>, vector<16xf32>,
    tpu.vector_store %arg5[%swap3A_265, %swap3A_266], %get3A_263 {strides = array<i32>} : memref<26x512xf32, #tpu.memory_space<vmem>>, vector<16xf32>,
    %get3A_268 = arith.constant 112 : index
    %get3A_269 = tpu.vector_load %arg8[%get3A_268] {strides = array<i32>} : memref<512xf32, #tpu.memory_space<vmem>>, vector<16xf32>,
    %swap3A_270 = arith.constant 13 : i32
    %swap3A_271 = arith.index_cast %swap3A_270 : i32 to index
    %swap3A_272 = arith.constant 112 : index
    %swap3A_273 = tpu.vector_load %arg5[%swap3A_271, %swap3A_272] {strides = array<i32>} : memref<26x512xf32, #tpu.memory_space<vmem>>, vector<16xf32>,
    tpu.vector_store %arg5[%swap3A_271, %swap3A_272], %get3A_269 {strides = array<i32>} : memref<26x512xf32, #tpu.memory_space<vmem>>, vector<16xf32>,
    %get3A_274 = arith.constant 128 : index
    %get3A_275 = tpu.vector_load %arg8[%get3A_274] {strides = array<i32>} : memref<512xf32, #tpu.memory_space<vmem>>, vector<16xf32>,
    %swap3A_276 = arith.constant 13 : i32
    %swap3A_277 = arith.index_cast %swap3A_276 : i32 to index
    %swap3A_278 = arith.constant 128 : index
    %swap3A_279 = tpu.vector_load %arg5[%swap3A_277, %swap3A_278] {strides = array<i32>} : memref<26x512xf32, #tpu.memory_space<vmem>>, vector<16xf32>,
    tpu.vector_store %arg5[%swap3A_277, %swap3A_278], %get3A_275 {strides = array<i32>} : memref<26x512xf32, #tpu.memory_space<vmem>>, vector<16xf32>,
    %get3A_280 = arith.constant 144 : index
    %get3A_281 = tpu.vector_load %arg8[%get3A_280] {strides = array<i32>} : memref<512xf32, #tpu.memory_space<vmem>>, vector<16xf32>,
    %swap3A_282 = arith.constant 13 : i32
    %swap3A_283 = arith.index_cast %swap3A_282 : i32 to index
    %swap3A_284 = arith.constant 144 : index
    %swap3A_285 = tpu.vector_load %arg5[%swap3A_283, %swap3A_284] {strides = array<i32>} : memref<26x512xf32, #tpu.memory_space<vmem>>, vector<16xf32>,
    tpu.vector_store %arg5[%swap3A_283, %swap3A_284], %get3A_281 {strides = array<i32>} : memref<26x512xf32, #tpu.memory_space<vmem>>, vector<16xf32>,
    %get3A_286 = arith.constant 160 : index
    %get3A_287 = tpu.vector_load %arg8[%get3A_286] {strides = array<i32>} : memref<512xf32, #tpu.memory_space<vmem>>, vector<16xf32>,
    %swap3A_288 = arith.constant 13 : i32
    %swap3A_289 = arith.index_cast %swap3A_288 : i32 to index
    %swap3A_290 = arith.constant 160 : index
    %swap3A_291 = tpu.vector_load %arg5[%swap3A_289, %swap3A_290] {strides = array<i32>} : memref<26x512xf32, #tpu.memory_space<vmem>>, vector<16xf32>,
    tpu.vector_store %arg5[%swap3A_289, %swap3A_290], %get3A_287 {strides = array<i32>} : memref<26x512xf32, #tpu.memory_space<vmem>>, vector<16xf32>,
    %get3A_292 = arith.constant 176 : index
    %get3A_293 = tpu.vector_load %arg8[%get3A_292] {strides = array<i32>} : memref<512xf32, #tpu.memory_space<vmem>>, vector<16xf32>,
    %swap3A_294 = arith.constant 13 : i32
    %swap3A_295 = arith.index_cast %swap3A_294 : i32 to index
    %swap3A_296 = arith.constant 176 : index
    %swap3A_297 = tpu.vector_load %arg5[%swap3A_295, %swap3A_296] {strides = array<i32>} : memref<26x512xf32, #tpu.memory_space<vmem>>, vector<16xf32>,
    tpu.vector_store %arg5[%swap3A_295, %swap3A_296], %get3A_293 {strides = array<i32>} : memref<26x512xf32, #tpu.memory_space<vmem>>, vector<16xf32>,
    %get3A_298 = arith.constant 192 : index
    %get3A_299 = tpu.vector_load %arg8[%get3A_298] {strides = array<i32>} : memref<512xf32, #tpu.memory_space<vmem>>, vector<16xf32>,
    %swap3A_300 = arith.constant 13 : i32
    %swap3A_301 = arith.index_cast %swap3A_300 : i32 to index
    %swap3A_302 = arith.constant 192 : index
    %swap3A_303 = tpu.vector_load %arg5[%swap3A_301, %swap3A_302] {strides = array<i32>} : memref<26x512xf32, #tpu.memory_space<vmem>>, vector<16xf32>,
    tpu.vector_store %arg5[%swap3A_301, %swap3A_302], %get3A_299 {strides = array<i32>} : memref<26x512xf32, #tpu.memory_space<vmem>>, vector<16xf32>,
    %get3A_304 = arith.constant 208 : index
    %get3A_305 = tpu.vector_load %arg8[%get3A_304] {strides = array<i32>} : memref<512xf32, #tpu.memory_space<vmem>>, vector<16xf32>,
    %swap3A_306 = arith.constant 13 : i32
    %swap3A_307 = arith.index_cast %swap3A_306 : i32 to index
    %swap3A_308 = arith.constant 208 : index
    %swap3A_309 = tpu.vector_load %arg5[%swap3A_307, %swap3A_308] {strides = array<i32>} : memref<26x512xf32, #tpu.memory_space<vmem>>, vector<16xf32>,
    tpu.vector_store %arg5[%swap3A_307, %swap3A_308], %get3A_305 {strides = array<i32>} : memref<26x512xf32, #tpu.memory_space<vmem>>, vector<16xf32>,
    %get3A_310 = arith.constant 224 : index
    %get3A_311 = tpu.vector_load %arg8[%get3A_310] {strides = array<i32>} : memref<512xf32, #tpu.memory_space<vmem>>, vector<16xf32>,
    %swap3A_312 = arith.constant 13 : i32
    %swap3A_313 = arith.index_cast %swap3A_312 : i32 to index
    %swap3A_314 = arith.constant 224 : index
    %swap3A_315 = tpu.vector_load %arg5[%swap3A_313, %swap3A_314] {strides = array<i32>} : memref<26x512xf32, #tpu.memory_space<vmem>>, vector<16xf32>,
    tpu.vector_store %arg5[%swap3A_313, %swap3A_314], %get3A_311 {strides = array<i32>} : memref<26x512xf32, #tpu.memory_space<vmem>>, vector<16xf32>,
    %get3A_316 = arith.constant 240 : index
    %get3A_317 = tpu.vector_load %arg8[%get3A_316] {strides = array<i32>} : memref<512xf32, #tpu.memory_space<vmem>>, vector<16xf32>,
    %swap3A_318 = arith.constant 13 : i32
    %swap3A_319 = arith.index_cast %swap3A_318 : i32 to index
    %swap3A_320 = arith.constant 240 : index
    %swap3A_321 = tpu.vector_load %arg5[%swap3A_319, %swap3A_320] {strides = array<i32>} : memref<26x512xf32, #tpu.memory_space<vmem>>, vector<16xf32>,
    tpu.vector_store %arg5[%swap3A_319, %swap3A_320], %get3A_317 {strides = array<i32>} : memref<26x512xf32, #tpu.memory_space<vmem>>, vector<16xf32>,
    %get3A_322 = arith.constant 256 : index
    %get3A_323 = tpu.vector_load %arg8[%get3A_322] {strides = array<i32>} : memref<512xf32, #tpu.memory_space<vmem>>, vector<16xf32>,
    %swap3A_324 = arith.constant 13 : i32
    %swap3A_325 = arith.index_cast %swap3A_324 : i32 to index
    %swap3A_326 = arith.constant 256 : index
    %swap3A_327 = tpu.vector_load %arg5[%swap3A_325, %swap3A_326] {strides = array<i32>} : memref<26x512xf32, #tpu.memory_space<vmem>>, vector<16xf32>,
    tpu.vector_store %arg5[%swap3A_325, %swap3A_326], %get3A_323 {strides = array<i32>} : memref<26x512xf32, #tpu.memory_space<vmem>>, vector<16xf32>,
    %get3A_328 = arith.constant 272 : index
    %get3A_329 = tpu.vector_load %arg8[%get3A_328] {strides = array<i32>} : memref<512xf32, #tpu.memory_space<vmem>>, vector<16xf32>,
    %swap3A_330 = arith.constant 13 : i32
    %swap3A_331 = arith.index_cast %swap3A_330 : i32 to index
    %swap3A_332 = arith.constant 272 : index
    %swap3A_333 = tpu.vector_load %arg5[%swap3A_331, %swap3A_332] {strides = array<i32>} : memref<26x512xf32, #tpu.memory_space<vmem>>, vector<16xf32>,
    tpu.vector_store %arg5[%swap3A_331, %swap3A_332], %get3A_329 {strides = array<i32>} : memref<26x512xf32, #tpu.memory_space<vmem>>, vector<16xf32>,
    %get3A_334 = arith.constant 288 : index
    %get3A_335 = tpu.vector_load %arg8[%get3A_334] {strides = array<i32>} : memref<512xf32, #tpu.memory_space<vmem>>, vector<16xf32>,
    %swap3A_336 = arith.constant 13 : i32
    %swap3A_337 = arith.index_cast %swap3A_336 : i32 to index
    %swap3A_338 = arith.constant 288 : index
    %swap3A_339 = tpu.vector_load %arg5[%swap3A_337, %swap3A_338] {strides = array<i32>} : memref<26x512xf32, #tpu.memory_space<vmem>>, vector<16xf32>,
    tpu.vector_store %arg5[%swap3A_337, %swap3A_338], %get3A_335 {strides = array<i32>} : memref<26x512xf32, #tpu.memory_space<vmem>>, vector<16xf32>,
    %get3A_340 = arith.constant 304 : index
    %get3A_341 = tpu.vector_load %arg8[%get3A_340] {strides = array<i32>} : memref<512xf32, #tpu.memory_space<vmem>>, vector<16xf32>,
    %swap3A_342 = arith.constant 13 : i32
    %swap3A_343 = arith.index_cast %swap3A_342 : i32 to index
    %swap3A_344 = arith.constant 304 : index
    %swap3A_345 = tpu.vector_load %arg5[%swap3A_343, %swap3A_344] {strides = array<i32>} : memref<26x512xf32, #tpu.memory_space<vmem>>, vector<16xf32>,
    tpu.vector_store %arg5[%swap3A_343, %swap3A_344], %get3A_341 {strides = array<i32>} : memref<26x512xf32, #tpu.memory_space<vmem>>, vector<16xf32>,
    %get3A_346 = arith.constant 320 : index
    %get3A_347 = tpu.vector_load %arg8[%get3A_346] {strides = array<i32>} : memref<512xf32, #tpu.memory_space<vmem>>, vector<16xf32>,
    %swap3A_348 = arith.constant 13 : i32
    %swap3A_349 = arith.index_cast %swap3A_348 : i32 to index
    %swap3A_350 = arith.constant 320 : index
    %swap3A_351 = tpu.vector_load %arg5[%swap3A_349, %swap3A_350] {strides = array<i32>} : memref<26x512xf32, #tpu.memory_space<vmem>>, vector<16xf32>,
    tpu.vector_store %arg5[%swap3A_349, %swap3A_350], %get3A_347 {strides = array<i32>} : memref<26x512xf32, #tpu.memory_space<vmem>>, vector<16xf32>,
    %get3A_352 = arith.constant 336 : index
    %get3A_353 = tpu.vector_load %arg8[%get3A_352] {strides = array<i32>} : memref<512xf32, #tpu.memory_space<vmem>>, vector<16xf32>,
    %swap3A_354 = arith.constant 13 : i32
    %swap3A_355 = arith.index_cast %swap3A_354 : i32 to index
    %swap3A_356 = arith.constant 336 : index
    %swap3A_357 = tpu.vector_load %arg5[%swap3A_355, %swap3A_356] {strides = array<i32>} : memref<26x512xf32, #tpu.memory_space<vmem>>, vector<16xf32>,
    tpu.vector_store %arg5[%swap3A_355, %swap3A_356], %get3A_353 {strides = array<i32>} : memref<26x512xf32, #tpu.memory_space<vmem>>, vector<16xf32>,
    %get3A_358 = arith.constant 352 : index
    %get3A_359 = tpu.vector_load %arg8[%get3A_358] {strides = array<i32>} : memref<512xf32, #tpu.memory_space<vmem>>, vector<16xf32>,
    %swap3A_360 = arith.constant 13 : i32
    %swap3A_361 = arith.index_cast %swap3A_360 : i32 to index
    %swap3A_362 = arith.constant 352 : index
    %swap3A_363 = tpu.vector_load %arg5[%swap3A_361, %swap3A_362] {strides = array<i32>} : memref<26x512xf32, #tpu.memory_space<vmem>>, vector<16xf32>,
    tpu.vector_store %arg5[%swap3A_361, %swap3A_362], %get3A_359 {strides = array<i32>} : memref<26x512xf32, #tpu.memory_space<vmem>>, vector<16xf32>,
    %get3A_364 = arith.constant 368 : index
    %get3A_365 = tpu.vector_load %arg8[%get3A_364] {strides = array<i32>} : memref<512xf32, #tpu.memory_space<vmem>>, vector<16xf32>,
    %swap3A_366 = arith.constant 13 : i32
    %swap3A_367 = arith.index_cast %swap3A_366 : i32 to index
    %swap3A_368 = arith.constant 368 : index
    %swap3A_369 = tpu.vector_load %arg5[%swap3A_367, %swap3A_368] {strides = array<i32>} : memref<26x512xf32, #tpu.memory_space<vmem>>, vector<16xf32>,
    tpu.vector_store %arg5[%swap3A_367, %swap3A_368], %get3A_365 {strides = array<i32>} : memref<26x512xf32, #tpu.memory_space<vmem>>, vector<16xf32>,
    %get3A_370 = arith.constant 384 : index
    %get3A_371 = tpu.vector_load %arg8[%get3A_370] {strides = array<i32>} : memref<512xf32, #tpu.memory_space<vmem>>, vector<16xf32>,
    %swap3A_372 = arith.constant 13 : i32
    %swap3A_373 = arith.index_cast %swap3A_372 : i32 to index
    %swap3A_374 = arith.constant 384 : index
    %swap3A_375 = tpu.vector_load %arg5[%swap3A_373, %swap3A_374] {strides = array<i32>} : memref<26x512xf32, #tpu.memory_space<vmem>>, vector<16xf32>,
    tpu.vector_store %arg5[%swap3A_373, %swap3A_374], %get3A_371 {strides = array<i32>} : memref<26x512xf32, #tpu.memory_space<vmem>>, vector<16xf32>,
    %get3A_376 = arith.constant 400 : index
    %get3A_377 = tpu.vector_load %arg8[%get3A_376] {strides = array<i32>} : memref<512xf32, #tpu.memory_space<vmem>>, vector<16xf32>,
    %swap3A_378 = arith.constant 13 : i32
    %swap3A_379 = arith.index_cast %swap3A_378 : i32 to index
    %swap3A_380 = arith.constant 400 : index
    %swap3A_381 = tpu.vector_load %arg5[%swap3A_379, %swap3A_380] {strides = array<i32>} : memref<26x512xf32, #tpu.memory_space<vmem>>, vector<16xf32>,
    tpu.vector_store %arg5[%swap3A_379, %swap3A_380], %get3A_377 {strides = array<i32>} : memref<26x512xf32, #tpu.memory_space<vmem>>, vector<16xf32>,
    %get3A_382 = arith.constant 416 : index
    %get3A_383 = tpu.vector_load %arg8[%get3A_382] {strides = array<i32>} : memref<512xf32, #tpu.memory_space<vmem>>, vector<16xf32>,
    %swap3A_384 = arith.constant 13 : i32
    %swap3A_385 = arith.index_cast %swap3A_384 : i32 to index
    %swap3A_386 = arith.constant 416 : index
    %swap3A_387 = tpu.vector_load %arg5[%swap3A_385, %swap3A_386] {strides = array<i32>} : memref<26x512xf32, #tpu.memory_space<vmem>>, vector<16xf32>,
    tpu.vector_store %arg5[%swap3A_385, %swap3A_386], %get3A_383 {strides = array<i32>} : memref<26x512xf32, #tpu.memory_space<vmem>>, vector<16xf32>,
    %get3A_388 = arith.constant 432 : index
    %get3A_389 = tpu.vector_load %arg8[%get3A_388] {strides = array<i32>} : memref<512xf32, #tpu.memory_space<vmem>>, vector<16xf32>,
    %swap3A_390 = arith.constant 13 : i32
    %swap3A_391 = arith.index_cast %swap3A_390 : i32 to index
    %swap3A_392 = arith.constant 432 : index
    %swap3A_393 = tpu.vector_load %arg5[%swap3A_391, %swap3A_392] {strides = array<i32>} : memref<26x512xf32, #tpu.memory_space<vmem>>, vector<16xf32>,
    tpu.vector_store %arg5[%swap3A_391, %swap3A_392], %get3A_389 {strides = array<i32>} : memref<26x512xf32, #tpu.memory_space<vmem>>, vector<16xf32>,
    %get3A_394 = arith.constant 448 : index
    %get3A_395 = tpu.vector_load %arg8[%get3A_394] {strides = array<i32>} : memref<512xf32, #tpu.memory_space<vmem>>, vector<16xf32>,
    %swap3A_396 = arith.constant 13 : i32
    %swap3A_397 = arith.index_cast %swap3A_396 : i32 to index
    %swap3A_398 = arith.constant 448 : index
    %swap3A_399 = tpu.vector_load %arg5[%swap3A_397, %swap3A_398] {strides = array<i32>} : memref<26x512xf32, #tpu.memory_space<vmem>>, vector<16xf32>,
    tpu.vector_store %arg5[%swap3A_397, %swap3A_398], %get3A_395 {strides = array<i32>} : memref<26x512xf32, #tpu.memory_space<vmem>>, vector<16xf32>,
    %get3A_400 = arith.constant 464 : index
    %get3A_401 = tpu.vector_load %arg8[%get3A_400] {strides = array<i32>} : memref<512xf32, #tpu.memory_space<vmem>>, vector<16xf32>,
    %swap3A_402 = arith.constant 13 : i32
    %swap3A_403 = arith.index_cast %swap3A_402 : i32 to index
    %swap3A_404 = arith.constant 464 : index
    %swap3A_405 = tpu.vector_load %arg5[%swap3A_403, %swap3A_404] {strides = array<i32>} : memref<26x512xf32, #tpu.memory_space<vmem>>, vector<16xf32>,
    tpu.vector_store %arg5[%swap3A_403, %swap3A_404], %get3A_401 {strides = array<i32>} : memref<26x512xf32, #tpu.memory_space<vmem>>, vector<16xf32>,
    %get3A_406 = arith.constant 480 : index
    %get3A_407 = tpu.vector_load %arg8[%get3A_406] {strides = array<i32>} : memref<512xf32, #tpu.memory_space<vmem>>, vector<16xf32>,
    %swap3A_408 = arith.constant 13 : i32
    %swap3A_409 = arith.index_cast %swap3A_408 : i32 to index
    %swap3A_410 = arith.constant 480 : index
    %swap3A_411 = tpu.vector_load %arg5[%swap3A_409, %swap3A_410] {strides = array<i32>} : memref<26x512xf32, #tpu.memory_space<vmem>>, vector<16xf32>,
    tpu.vector_store %arg5[%swap3A_409, %swap3A_410], %get3A_407 {strides = array<i32>} : memref<26x512xf32, #tpu.memory_space<vmem>>, vector<16xf32>,
    %get3A_412 = arith.constant 496 : index
    %get3A_413 = tpu.vector_load %arg8[%get3A_412] {strides = array<i32>} : memref<512xf32, #tpu.memory_space<vmem>>, vector<16xf32>,
    %swap3A_414 = arith.constant 13 : i32
    %swap3A_415 = arith.index_cast %swap3A_414 : i32 to index
    %swap3A_416 = arith.constant 496 : index
    %swap3A_417 = tpu.vector_load %arg5[%swap3A_415, %swap3A_416] {strides = array<i32>} : memref<26x512xf32, #tpu.memory_space<vmem>>, vector<16xf32>,
    tpu.vector_store %arg5[%swap3A_415, %swap3A_416], %get3A_413 {strides = array<i32>} : memref<26x512xf32, #tpu.memory_space<vmem>>, vector<16xf32>,
    "tpu.region"() ({
      %run_scoped3A = tpu.sem_alloc : memref<!tpu.dma_semaphore, #tpu.memory_space<semaphore_mem>>
      %dma_start3A_418 = arith.constant 0 : i32
      %dma_start3A_419 = tpu.memref_slice %arg4[%dma_start3A_418, %mul3A_2] : memref<26x16384xf32, #tpu.memory_space<hbm>> -> memref<26x512xf32, #tpu.memory_space<hbm>>
      %dma_start3A_420 = arith.constant 0 : i32
      %dma_start3A_421 = tpu.memref_slice %arg4[%dma_start3A_420, %mul3A_2] : memref<26x16384xf32, #tpu.memory_space<hbm>> -> memref<26x512xf32, #tpu.memory_space<hbm>>
      tpu.enqueue_dma source(%arg5 : memref<26x512xf32, #tpu.memory_space<vmem>>) target(%dma_start3A_421 : memref<26x512xf32, #tpu.memory_space<hbm>>) target_semaphore(%run_scoped3A : memref<!tpu.dma_semaphore, #tpu.memory_space<semaphore_mem>>)
      %dma_wait3A_422 = arith.constant 0 : i32
      %dma_wait3A_423 = tpu.memref_slice %arg4[%dma_wait3A_422, %mul3A_2] : memref<26x16384xf32, #tpu.memory_space<hbm>> -> memref<26x512xf32, #tpu.memory_space<hbm>>
      %dma_wait3A_424 = arith.constant 0 : i32
      %dma_wait3A_425 = tpu.memref_slice %arg4[%dma_wait3A_424, %mul3A_2] : memref<26x16384xf32, #tpu.memory_space<hbm>> -> memref<26x512xf32, #tpu.memory_space<hbm>>
      tpu.wait_dma2 semaphore(%run_scoped3A : memref<!tpu.dma_semaphore, #tpu.memory_space<semaphore_mem>>) src(%arg5 : memref<26x512xf32, #tpu.memory_space<vmem>>) dst(%dma_wait3A_425 : memref<26x512xf32, #tpu.memory_space<hbm>>)
      tpu.yield
    }) : () -> ()
    return
  }
}

</mosaic_0001>

<sc_bundles>
// kernel: kernel.3.cloned.1.call-start
scs
__scs_entry_jumppad:
0x0: {  	(pc) =	sbr.rel $0x88, $3  }
0x1: {  	(tag) =	ssettag $0x0;
	lr =	simm.s32 $0x1  }
0x2: {  	[smem:$0x3F9F] =	sst lr;
	_ =	strace $0xD0000000  }
0x3: {  	_ = 	snop  }
0x4: {  	_ = 	snop  }
0x5: {  	_ = 	snop  }
0x6: {  	_ = 	snop  }
0x7: {  	_ = 	snop  }
__scs_overlays_trampoline_lowered:
0x8: {  	[smem:$0x3FAE] =	sst s0  }
0x9: {  	[smem:$0x3FAF] =	sst s1  }
0xa: {  	[smem:$0x3FB0] =	sst s2  }
0xb: {  	[smem:$0x3FB1] =	sst s3  }
0xc: {  	[smem:$0x3FB2] =	sst s4  }
0xd: {  	[smem:$0x3FB3] =	sst s5  }
0xe: {  	[smem:$0x3FB4] =	sst s6  }
0xf: {  	[smem:$0x3FB5] =	sst s7  }
0x10: {  	[smem:$0x3FB6] =	sst s8  }
0x11: {  	[smem:$0x3FB7] =	sst s9;
	s0 =	simm.s32 @!p0 $0x0  }
0x12: {  	s1 =	sld [smem:$0x3F9D];
	s0 =	simm.s32 @p0 $0x1  }
0x13: {  	[smem:$0x3FB8] =	sst s0;
	s0 =	simm.s32 @!p1 $0x0  }
0x14: {  	s2 =	sld [smem:$0x3F9C];
	s0 =	simm.s32 @p1 $0x1  }
0x15: {  	[smem:$0x3FB9] =	sst s0;
	s0 =	simm.s32 @!p2 $0x0  }
0x16: {  	s3 =	sld [smem:$0x3FDB];
	s0 =	simm.s32 @p2 $0x1  }
0x17: {  	s4 =	simm.s32 $0x1BF5;
	[smem:$0x3FBB] =	sst s0  }
0x18: {  	s0 =	sld [smem:$0x3F9E];
	_ =	swait.ge [sflag:s4], $0x0  }
0x19: {  	s7 =	sld [smem:$0x3F9F]  }
0x1a: {  	s8 =	sadd.s32 $0xFFFFE003, lr  }
0x1b: {  	s9 =	sadd.s32 $0xFFFFFEF7, lr;
	s5 =	simm.s32 $0xFFFFFFFF;
	p2 =	slt.u32 s8, $0xFFFFF086  }
0x1c: {  	p1 =	slt.u32 s9, $0xF7A;
	s5 =	simm.s32 @!p2 $0x0  }
0x1d: {  	s5 =	simm.s32 @p1 $0x1;
	p0 =	seq.s32 s7, s2  }
0x1e: {  	s7 =	smul.u32 @!p0 $0xF7A, s2;
	p2 =	seq.s32 @!p0 s5, $0x0  }
0x1f: {  	s9 =	smul.u32 $0xF7A, s1;
	s8 =	simm.s32 @!p0 $0x1BF5;
	p2 =	por !p2, p0  }
0x20: {  	[sflag:s8] =	ssyncset.s32 @!p0 $0xFFFFF086;
	s6 =	sadd.s32 @!p0 s3, s7;
	s7 =	simm.s32 @!p0 $0x108  }
0x21: {  	s3 =	sadd.s32 s3, s9;
	s6 =	sadd.s32 @!p0 $0x88, s6;
	s7 =	simm.s32 @p2 $0x1082  }
0x22: {  	[simem:s7], [sflag:s8] =	dma.local @!p0 [hbm:s6], $0xF7A  }
0x23: {  	s9 =	sor.u32 $0xD0000000, s2;
	s6 =	simm.s32 $0x108;
	_ =	swait.ge @!p0 [sflag:s8], $0x0  }
0x24: {  	s3 =	sadd.s32 $0x88, s3;
	s6 =	simm.s32 @!p1 $0x1082;
	[sflag:s4] =	ssyncset.s32 $0xFFFFF086  }
0x25: {  	[simem:s6], [sflag:s4] =	dma.local [hbm:s3], $0xF7A  }
0x26: {  	[smem:$0x3F9F] =	sst s1;
	(tag) =	ssettag s2;
	_ =	strace s9  }
0x27: {  	s1 =	sld [smem:$0x3FAF]  }
0x28: {  	s2 =	sld [smem:$0x3FB0]  }
0x29: {  	s4 =	sld [smem:$0x3FB2]  }
0x2a: {  	p0 =	seq.s32 s5, $0x0;
	s5 =	sld [smem:$0x3FB3]  }
0x2b: {  	s6 =	sld [smem:$0x3FB4]  }
0x2c: {  	s7 =	sld [smem:$0x3FB5]  }
0x2d: {  	s3 =	simm.s32 $0x108;
	s8 =	sld [smem:$0x3FB6]  }
0x2e: {  	s3 =	simm.s32 @!p0 $0x1082;
	s9 =	sld [smem:$0x3FB7]  }
0x2f: {  	lr =	sadd.s32 s0, s3;
	s0 =	sld [smem:$0x3FAE]  }
0x30: {  	s3 =	sld [smem:$0x3FB1]  }
0x31: {  	[smem:$0x3FBA] =	sst s10  }
0x32: {  	s10 =	sld [smem:$0x3FB8];
	_ =	sdelay $0x3  }
0x33: {  	p0 =	seq.s32 s10, $0x1;
	s10 =	sld [smem:$0x3FBA];
	_ =	sdelay $0x3  }
0x34: {  	[smem:$0x3FBA] =	sst s10  }
0x35: {  	s10 =	sld [smem:$0x3FB9];
	_ =	sdelay $0x3  }
0x36: {  	p1 =	seq.s32 s10, $0x1;
	s10 =	sld [smem:$0x3FBA];
	_ =	sdelay $0x3  }
0x37: {  	[smem:$0x3FBA] =	sst s10  }
0x38: {  	s10 =	sld [smem:$0x3FBB]  }
0x39: {  	_ = 	snop;
	(pc) =	sbr.ind lr, $3  }
0x3a: {  	_ = 	snop  }
0x3b: {  	_ = 	snop  }
0x3c: {  	p2 =	seq.s32 s10, $0x1;
	s10 =	sld [smem:$0x3FBA]  }
0x3d: {  	_ =	shalt  }
0x3e: {  	_ =	shalt  }
0x3f: {  	_ =	shalt  }
0x40: {  	_ =	shalt  }
0x41: {  	_ =	shalt  }
0x42: {  	_ =	shalt  }
0x43: {  	_ =	shalt  }
0x44: {  	_ =	shalt  }
0x45: {  	_ =	shalt  }
0x46: {  	_ =	shalt  }
0x47: {  	_ =	shalt  }
0x48: {  	_ =	shalt  }
0x49: {  	_ =	shalt  }
0x4a: {  	_ =	shalt  }
0x4b: {  	_ =	shalt  }
0x4c: {  	_ =	shalt  }
0x4d: {  	_ =	shalt  }
0x4e: {  	_ =	shalt  }
0x4f: {  	_ =	shalt  }
0x50: {  	_ =	shalt  }
0x51: {  	_ =	shalt  }
0x52: {  	_ =	shalt  }
0x53: {  	_ =	shalt  }
0x54: {  	_ =	shalt  }
0x55: {  	_ =	shalt  }
0x56: {  	_ =	shalt  }
0x57: {  	_ =	shalt  }
0x58: {  	_ =	shalt  }
0x59: {  	_ =	shalt  }
0x5a: {  	_ =	shalt  }
0x5b: {  	_ =	shalt  }
0x5c: {  	_ =	shalt  }
0x5d: {  	_ =	shalt  }
0x5e: {  	_ =	shalt  }
0x5f: {  	_ =	shalt  }
0x60: {  	_ =	shalt  }
0x61: {  	_ =	shalt  }
0x62: {  	_ =	shalt  }
0x63: {  	_ =	shalt  }
0x64: {  	_ =	shalt  }
0x65: {  	_ =	shalt  }
0x66: {  	_ =	shalt  }
0x67: {  	_ =	shalt  }
0x68: {  	_ =	shalt  }
0x69: {  	_ =	shalt  }
0x6a: {  	_ =	shalt  }
0x6b: {  	_ =	shalt  }
0x6c: {  	_ =	shalt  }
0x6d: {  	_ =	shalt  }
0x6e: {  	_ =	shalt  }
0x6f: {  	_ =	shalt  }
0x70: {  	_ =	shalt  }
0x71: {  	_ =	shalt  }
0x72: {  	_ =	shalt  }
0x73: {  	_ =	shalt  }
0x74: {  	_ =	shalt  }
0x75: {  	_ =	shalt  }
0x76: {  	_ =	shalt  }
0x77: {  	_ =	shalt  }
0x78: {  	_ =	shalt  }
0x79: {  	_ =	shalt  }
0x7a: {  	_ =	shalt  }
0x7b: {  	_ =	shalt  }
0x7c: {  	_ =	shalt  }
0x7d: {  	_ =	shalt  }
0x7e: {  	_ =	shalt  }
0x7f: {  	_ =	shalt  }
0x80: {  	_ =	shalt  }
0x81: {  	_ =	shalt  }
0x82: {  	_ =	shalt  }
0x83: {  	_ =	shalt  }
0x84: {  	_ =	shalt  }
0x85: {  	_ =	shalt  }
0x86: {  	_ =	shalt  }
0x87: {  	_ =	shalt  }
.Lfunc_end0:
.L_simem_size_0:
called_computation_lowered:
.L_overlay_start_0:
0x88: {  	s2 =	sld [smem:$0x3FD9]  }
0x89: {  	s3 =	sld [smem:$0x3FFE];
	_ =	sdelay $0x1  }
0x8a: {  	s1 =	srdreg.scid  }
0x8b: {  	s0 =	sand.u32 $0x1, s1  }
0x8c: {  	s17 =	sshll.u32 s0, $0xA;
	s2 =	sadd.s32 s3, s2  }
0x8d: {  	s2 =	sadd.s32 s2, s17  }
0x8e: {  	[smem:$0x3FC6] =	sst s2  }
0x8f: {  	_ = 	snop  }
0x90: {  	s2 =	sld [smem:$0x3FC9]  }
0x91: {  	s18 =	sld [smem:$0x3FD0];
	(tm) =	ssettm $0x1  }
0x92: {  	s4 =	sld [smem:$0x3FFB];
	_ =	sdelay $0x3  }
0x93: {  	_ =	strace s4  }
0x94: {  	s4 =	sld [smem:$0x3FFC];
	_ =	sdelay $0x3  }
0x95: {  	_ =	strace s4  }
0x96: {  	s4 =	sld [smem:$0x3FFD];
	_ =	sdelay $0x3  }
0x97: {  	_ =	strace s4  }
0x98: {  	_ =	strace $0x8FFFFFFF  }
0x99: {  	s19 =	sld [smem:$0x3FDB];
	_ =	sdelay $0x1  }
0x9a: {  	s5 =	simm.s32 $_scs_section_size  }
0x9b: {  	s6 =	simm.s32 $_size__tile_overlayer_lowered;
	s7 =	simm.s32 $_tile_overlayer_lowered  }
0x9c: {  	s22 =	simm.s32 $0x1BFF;
	s21 =	sshll.u32 s7, $0x1;
	s4 =	sadd.s32 s5, s19  }
0x9d: {  	s8 =	simm.s32 $0x0;
	s20 =	sshll.u32 s6, $0x1;
	s6 =	sadd.s32 s21, s4  }
0x9e: {  	[timem:s8], [sflag:s22] =	dma.local [hbm:s6], s20  }
0x9f: {  	_ =	swait.ge [sflag:s22], s20  }
0xa0: {  	s5 =	ssub.s32 $0x0, s20;
	[sflag:s22] =	ssyncset.done $0x0  }
0xa1: {  	[sflag:s22] =	ssyncadd.s32 s5;
	_ =	sdelay $0x1  }
0xa2: {  	s23 =	simm.s32 $0x1B8B  }
0xa3: {  	_ =	swait.ge [sflag:s23], $0x1  }
0xa4: {  	[sflag:s23] =	ssyncset.done $0x0  }
0xa5: {  	s25 =	simm.s32 $0x1B8E;
	s24 =	sld [smem:$0x3FFE];
	[sflag:s23] =	ssyncadd.s32 $0xFFFFFFFF  }
0xa6: {  	s26 =	simm.s32 $execute0_lowered;
	[smem:$0x3FD2] =	sst s25  }
0xa7: {  	s6 =	sshll.u32 s26, $0x1;
	_ =	strace $0x80000046;
	[dreg:$0x1] =	wrdreg $0xFFFFFFFF  }
0xa8: {  	s28 =	simm.s32 $_size_execute0_lowered;
	s4 =	sadd.s32 s4, s6;
	[dreg:$0x0] =	wrdreg $0x0  }
0xa9: {  	s6 =	sshll.u32 s28, $0x1;
	[dreg:$0x2] =	wrdreg s4  }
0xaa: {  	[dreg:$0x3] =	wrdreg s6  }
0xab: {  	[dreg:$0x4] =	wrdreg $0xC0  }
0xac: {  	_ =	task [dreg:s8], $0x5FFFF  }
0xad: {  	[dreg:$0x1] =	wrdreg $0xFFFFFFFF  }
0xae: {  	[dreg:$0x0] =	wrdreg $0x60  }
0xaf: {  	[dreg:$0x2] =	wrdreg s2  }
0xb0: {  	[dreg:$0x3] =	wrdreg s24  }
0xb1: {  	[dreg:$0x4] =	wrdreg s18  }
0xb2: {  	[dreg:$0x5] =	wrdreg $0x9  }
0xb3: {  	_ =	task.clear_ibuf [dreg:s8], $0x6FFFF;
	_ =	strace $0x90000046  }
0xb4: {  	s29 =	simm.s32 $0x9;
	_ =	strace $0x80000048  }
0xb5: {  	_ =	swait.ge [sflag:s29], $0x1  }
0xb6: {  	[sflag:s29] =	ssyncadd.s32 $0xFFFFFFFF  }
0xb7: {  	_ =	strace $0x90000048  }
0xb8: {  	_ =	sfence  }
0xb9: {  	s30 =	sld [smem:$0x0];
	_ =	sdelay $0x2  }
0xba: {  	s31 =	sshll.u32 s1, $0xD;
	s1 =	sshrl.u32 s1, $0x2  }
0xbb: {  	s3 =	sand.u32 $0x4000, s31;
	s1 =	sadd.s32 s1, s30  }
0xbc: {  	s0 =	sor.u32 s3, s0;
	s1 =	sshll.u32 s1, $0x11  }
0xbd: {  	s0 =	sor.u32 s1, s0  }
0xbe: {  	s0 =	sadd.s32 $0x8F2B, s0  }
0xbf: {  	[sflag:s0] =	ssyncadd.remote.s32 $0x1  }
0xc0: {  	_ =	sfence.sel $0xFFFF  }
0xc1: {  	[dreg:$0x0] =	wrdreg $0xFFFFFFFF;
	(pc) =	sbr.abs _section_cstart, $3  }
0xc2: {  	[dreg:$0x1] =	wrdreg $0xFFFFFFFF  }
0xc3: {  	_ =	task.clear_ibuf [dreg:s8], $0x2FFFF;
	_ =	strace $0x9FFFFFFF  }
0xc4: {  	(tm) =	ssettm $0x7FFFFFFF  }
0xc5: {  	_ =	shalt  }
tec
execute0_lowered:
.L_overlay_start_1:
0x0: {  	(tag) =	ssettag $0x1  }
0x1: {  	s4 =	rddreg [dreg:$0x0]  }
0x2: {  	s1 =	rddreg [dreg:$0x1]  }
0x3: {  	s5 =	rddreg [dreg:$0x2]  }
0x4: {  	s0 =	rddreg [dreg:$0x3];
	s6 =	srdreg.scid  }
0x5: {  	s3 =	simm.s32 $0x0;
	s2 =	stileid.u32;
	s10 =	simm.s32 $0x200  }
0x6: {  	s11 =	simm.s32 $0x4000;
	s12 =	simm.s32 $0x4200;
	s13 =	simm.s32 $0x1  }
0x7: {  	s6 =	sand.u32 $0x1, s6;
	s8 =	sshll.u32 s2, $0xA;
	[smem:$0x7FF] =	sst s3  }
0x8: {  	s7 =	ssub.s32 $0x2, s6;
	s6 =	sshll.u32 s6, $0x9;
	_ =	strace $0x80000047  }
0x9: {  	s9 =	sshrl.u32 s7, $0x1;
	s6 =	sor.u32 s6, s8;
	s8 =	simm.s32 $0x20000  }
0xa: {  	s7 =	ssub.s32 s7, s9;
	s4 =	sadd.s32 s4, s6;
	s5 =	sadd.s32 s5, s6  }
0xb: {  	s9 =	simm.s32 $0x2;
	s6 =	smax.u32 s7, $0x1;
	s7 =	simm.s32 $0x1000  }
.LBB2_1:
0xc: {  	[tilespmem:s3], [sflag:$0x2] =	stream.strided.gather [hbm4b:s4+s7], $0x4000, s8, s7, $0x38;
	[tilespmem:$0x4400] =	vst v63  }
0xd: {  	_ =	swait.ge [sflag:s9], $0x4000  }
0xe: {  	[sflag:s9] =	ssyncset.done $0x0  }
0xf: {  	[sflag:s9] =	ssyncadd.s32 $0xFFFFC000  }
0x10: {  	v0 =	vld [tilespmem:$0x1280]  }
0x11: {  	v1 =	vld [tilespmem:$0x1290]  }
0x12: {  	v2 =	vld [tilespmem:$0x12A0]  }
0x13: {  	v3 =	vld [tilespmem:$0x12B0]  }
0x14: {  	v4 =	vld [tilespmem:$0x12C0]  }
0x15: {  	v5 =	vld [tilespmem:$0x12D0];
	v0 =	vtrunc.f32 v0  }
0x16: {  	v6 =	vld [tilespmem:$0x12E0];
	v1 =	vtrunc.f32 v1;
	v0 =	vcvt.f32.s32 v0  }
0x17: {  	v7 =	vld [tilespmem:$0x12F0];
	v2 =	vtrunc.f32 v2;
	v1 =	vcvt.f32.s32 v1  }
0x18: {  	v62 =	vld [tilespmem:$0x1680];
	v61 =	vtrunc.f32 v3;
	v60 =	vcvt.f32.s32 v2;
	[tilespmem:$0x4000] =	vst v0  }
0x19: {  	v9 =	vld [tilespmem:$0x1690];
	v8 =	vtrunc.f32 v4;
	v63 =	vcvt.f32.s32 v61;
	[tilespmem:$0x4010] =	vst v1  }
0x1a: {  	v12 =	vld [tilespmem:$0x16A0];
	v11 =	vtrunc.f32 v5;
	v10 =	vcvt.f32.s32 v8;
	[tilespmem:$0x4020] =	vst v60  }
0x1b: {  	v15 =	vld [tilespmem:$0x16B0];
	v14 =	vtrunc.f32 v6;
	v13 =	vcvt.f32.s32 v11;
	[tilespmem:$0x4030] =	vst v63  }
0x1c: {  	v18 =	vld [tilespmem:$0x16C0];
	v17 =	vtrunc.f32 v7;
	v16 =	vcvt.f32.s32 v14;
	[tilespmem:$0x4040] =	vst v10  }
0x1d: {  	v21 =	vld [tilespmem:$0x16D0];
	v20 =	vtrunc.f32 v62;
	v19 =	vcvt.f32.s32 v17;
	[tilespmem:$0x4050] =	vst v13  }
0x1e: {  	v24 =	vld [tilespmem:$0x16E0];
	v23 =	vtrunc.f32 v9;
	v22 =	vcvt.f32.s32 v20;
	[tilespmem:$0x4060] =	vst v16  }
0x1f: {  	v27 =	vld [tilespmem:$0x16F0];
	v26 =	vtrunc.f32 v12;
	v25 =	vcvt.f32.s32 v23;
	[tilespmem:$0x4070] =	vst v19  }
0x20: {  	v30 =	vld [tilespmem:$0x1A80];
	v29 =	vtrunc.f32 v15;
	v28 =	vcvt.f32.s32 v26;
	[tilespmem:$0x4080] =	vst v22  }
0x21: {  	v33 =	vld [tilespmem:$0x1A90];
	v32 =	vtrunc.f32 v18;
	v31 =	vcvt.f32.s32 v29;
	[tilespmem:$0x4090] =	vst v25  }
0x22: {  	v36 =	vld [tilespmem:$0x1AA0];
	v35 =	vtrunc.f32 v21;
	v34 =	vcvt.f32.s32 v32;
	[tilespmem:$0x40A0] =	vst v28  }
0x23: {  	v39 =	vld [tilespmem:$0x1AB0];
	v38 =	vtrunc.f32 v24;
	v37 =	vcvt.f32.s32 v35;
	[tilespmem:$0x40B0] =	vst v31  }
0x24: {  	v42 =	vld [tilespmem:$0x1AC0];
	v41 =	vtrunc.f32 v27;
	v40 =	vcvt.f32.s32 v38;
	[tilespmem:$0x40C0] =	vst v34  }
0x25: {  	v45 =	vld [tilespmem:$0x1AD0];
	v44 =	vtrunc.f32 v30;
	v43 =	vcvt.f32.s32 v41;
	[tilespmem:$0x40D0] =	vst v37  }
0x26: {  	v48 =	vld [tilespmem:$0x1AE0];
	v47 =	vtrunc.f32 v33;
	v46 =	vcvt.f32.s32 v44;
	[tilespmem:$0x40E0] =	vst v40  }
0x27: {  	v51 =	vld [tilespmem:$0x1AF0];
	v50 =	vtrunc.f32 v36;
	v49 =	vcvt.f32.s32 v47;
	[tilespmem:$0x40F0] =	vst v43  }
0x28: {  	v54 =	vld [tilespmem:$0x1E80];
	v53 =	vtrunc.f32 v39;
	v52 =	vcvt.f32.s32 v50;
	[tilespmem:$0x4100] =	vst v46  }
0x29: {  	v57 =	vld [tilespmem:$0x1E90];
	v56 =	vtrunc.f32 v42;
	v55 =	vcvt.f32.s32 v53;
	[tilespmem:$0x4110] =	vst v49  }
0x2a: {  	v59 =	vtrunc.f32 v45;
	v58 =	vcvt.f32.s32 v56;
	v11 =	vld [tilespmem:$0x1EC0];
	[tilespmem:$0x4120] =	vst v52  }
0x2b: {  	v62 =	vtrunc.f32 v48;
	v61 =	vcvt.f32.s32 v59;
	v14 =	vld [tilespmem:$0x1ED0];
	[tilespmem:$0x4130] =	vst v55  }
0x2c: {  	v9 =	vcvt.f32.s32 v62;
	v17 =	vld [tilespmem:$0x1EE0];
	[tilespmem:$0x4140] =	vst v58;
	v10 =	vtrunc.f32 v51  }
0x2d: {  	v20 =	vld [tilespmem:$0x1EF0];
	[tilespmem:$0x4150] =	vst v61;
	v13 =	vtrunc.f32 v54;
	v12 =	vcvt.f32.s32 v10  }
0x2e: {  	v60 =	vld [tilespmem:$0x1EA0];
	[tilespmem:$0x4160] =	vst v9;
	v16 =	vtrunc.f32 v57;
	v15 =	vcvt.f32.s32 v13  }
0x2f: {  	v63 =	vld [tilespmem:$0x1EB0];
	v18 =	vcvt.f32.s32 v16;
	[tilespmem:$0x4170] =	vst v12;
	v24 =	vtrunc.f32 v11  }
0x30: {  	[tilespmem:$0x4180] =	vst v15;
	v26 =	vtrunc.f32 v14;
	v25 =	vcvt.f32.s32 v24  }
0x31: {  	[tilespmem:$0x4190] =	vst v18;
	v28 =	vtrunc.f32 v17;
	v27 =	vcvt.f32.s32 v26  }
0x32: {  	v30 =	vtrunc.f32 v20;
	v29 =	vcvt.f32.s32 v28;
	[tilespmem:$0x41C0] =	vst v25  }
0x33: {  	v31 =	vcvt.f32.s32 v30;
	v19 =	vtrunc.f32 v60;
	[tilespmem:$0x41D0] =	vst v27  }
0x34: {  	v22 =	vtrunc.f32 v63;
	v21 =	vcvt.f32.s32 v19;
	[tilespmem:$0x41E0] =	vst v29  }
0x35: {  	v23 =	vcvt.f32.s32 v22;
	[tilespmem:$0x41F0] =	vst v31  }
0x36: {  	[tilespmem:$0x41A0] =	vst v21  }
0x37: {  	[tilespmem:$0x41B0] =	vst v23  }
0x38: {  	[tilespmem:s12], [sflag:$0x1] =	stream.indirect.gather [hbm4b:s1+s10], $0x1, s11, s10, $0xb8;
	[tilespmem:$0x4400] =	vst v63  }
0x39: {  	_ =	swait.ge [sflag:s13], $0x200  }
0x3a: {  	[sflag:s13] =	ssyncset.done $0x0  }
0x3b: {  	[sflag:s13] =	ssyncadd.s32 $0xFFFFFE00  }
0x3c: {  	v32 =	vld [tilespmem:$0x4200]  }
0x3d: {  	v33 =	vld [tilespmem:$0x4210]  }
0x3e: {  	v34 =	vld [tilespmem:$0x4220]  }
0x3f: {  	v35 =	vld [tilespmem:$0x4230]  }
0x40: {  	v36 =	vld [tilespmem:$0x4240]  }
0x41: {  	v37 =	vld [tilespmem:$0x4250];
	[tilespmem:$0x1280] =	vst v32  }
0x42: {  	v38 =	vld [tilespmem:$0x4260];
	[tilespmem:$0x1290] =	vst v33  }
0x43: {  	v39 =	vld [tilespmem:$0x4270];
	[tilespmem:$0x12A0] =	vst v34  }
0x44: {  	v40 =	vld [tilespmem:$0x4280];
	[tilespmem:$0x12B0] =	vst v35  }
0x45: {  	v41 =	vld [tilespmem:$0x4290];
	[tilespmem:$0x12C0] =	vst v36  }
0x46: {  	v42 =	vld [tilespmem:$0x42A0];
	[tilespmem:$0x12D0] =	vst v37  }
0x47: {  	v43 =	vld [tilespmem:$0x42B0];
	[tilespmem:$0x12E0] =	vst v38  }
0x48: {  	v44 =	vld [tilespmem:$0x42C0];
	[tilespmem:$0x12F0] =	vst v39  }
0x49: {  	v45 =	vld [tilespmem:$0x42D0];
	[tilespmem:$0x1680] =	vst v40  }
0x4a: {  	v46 =	vld [tilespmem:$0x42E0];
	[tilespmem:$0x1690] =	vst v41  }
0x4b: {  	v47 =	vld [tilespmem:$0x42F0];
	[tilespmem:$0x16A0] =	vst v42  }
0x4c: {  	v48 =	vld [tilespmem:$0x4300];
	[tilespmem:$0x16B0] =	vst v43  }
0x4d: {  	v49 =	vld [tilespmem:$0x4310];
	[tilespmem:$0x16C0] =	vst v44  }
0x4e: {  	v50 =	vld [tilespmem:$0x4320];
	[tilespmem:$0x16D0] =	vst v45  }
0x4f: {  	v51 =	vld [tilespmem:$0x4330];
	[tilespmem:$0x16E0] =	vst v46  }
0x50: {  	v52 =	vld [tilespmem:$0x4340];
	[tilespmem:$0x16F0] =	vst v47  }
0x51: {  	v53 =	vld [tilespmem:$0x4350];
	[tilespmem:$0x1A80] =	vst v48  }
0x52: {  	v54 =	vld [tilespmem:$0x4360];
	[tilespmem:$0x1A90] =	vst v49  }
0x53: {  	v55 =	vld [tilespmem:$0x4370];
	[tilespmem:$0x1AA0] =	vst v50  }
0x54: {  	v56 =	vld [tilespmem:$0x4380];
	[tilespmem:$0x1AB0] =	vst v51  }
0x55: {  	v57 =	vld [tilespmem:$0x4390];
	[tilespmem:$0x1AC0] =	vst v52  }
0x56: {  	v58 =	vld [tilespmem:$0x43A0];
	[tilespmem:$0x1AD0] =	vst v53  }
0x57: {  	v59 =	vld [tilespmem:$0x43B0];
	[tilespmem:$0x1AE0] =	vst v54  }
0x58: {  	v60 =	vld [tilespmem:$0x43C0];
	[tilespmem:$0x1AF0] =	vst v55  }
0x59: {  	v61 =	vld [tilespmem:$0x43D0];
	[tilespmem:$0x1E80] =	vst v56  }
0x5a: {  	v62 =	vld [tilespmem:$0x43E0];
	[tilespmem:$0x1E90] =	vst v57  }
0x5b: {  	v63 =	vld [tilespmem:$0x43F0];
	[tilespmem:$0x1EA0] =	vst v58  }
0x5c: {  	[tilespmem:$0x1EB0] =	vst v59  }
0x5d: {  	[tilespmem:$0x1EC0] =	vst v60  }
0x5e: {  	[tilespmem:$0x1ED0] =	vst v61  }
0x5f: {  	p0 =	sne.s32 s6, $0x1;
	[tilespmem:$0x1EE0] =	vst v62  }
.Ltmp0:
0x60: {  	[tilespmem:$0x1EF0] =	vst v63;
	(pc) =	sbr.rel @p0 .LBB2_1-.Ltmp0, $4  }
0x61: {  	[hbm4b:s5+s7] =	stream.strided.scatter [tilespmem:s3], [sflag:$0x2], $0x4000, s8, s7, $0x38;
	[tilespmem:$0x4400] =	vst v63  }
0x62: {  	_ =	swait.ge [sflag:s9], $0x4000  }
0x63: {  	[sflag:s9] =	ssyncset.done $0x0  }
0x64: {  	s6 =	sadd.s32 $0xFFFFFFFF, s6;
	[sflag:s9] =	ssyncadd.s32 $0xFFFFC000  }
0x65: {  	_ =	sfence.sel $0x180000  }
0x66: {  	[bflag:$0x0] =	sbarrier.arrive $0xFFFF  }
0x67: {  	p0 =	sne.s32 s2, $0x0;
	_ =	strace $0x90000047  }
0x68: {  	s0 =	sadd.s32 @!p0 $0x100000, s0;
	[bflag:$0x2] =	sbarrier.arrive $0xFFFF  }
0x69: {  	[sflag:s0] =	ssyncadd.tile.s32 @!p0 $0x1;
	_ =	shalt  }
.Lfunc_end2:
_tile_overlayer_lowered:
.L_overlay_start_2:
0x6a: {  	(tag) =	ssettag $0x2  }
0x6b: {  	s0 =	rddreg [dreg:$0x0];
	s2 =	stileid.u32  }
0x6c: {  	s1 =	rddreg [dreg:$0x1];
	p0 =	sne.s32 s2, $0x0  }
0x6d: {  	s3 =	rddreg [dreg:$0x2];
	[bflag:$0x3] =	sbarrier.arrive $0xFFFF;
	s2 =	simm.s32 @!p0 $0x1C02  }
0x6e: {  	[timem:s3], [sflag:s2] =	dma.local @!p0 [hbm:s0], s1  }
0x6f: {  	s0 =	simm.s32 @!p0 $0x2  }
0x70: {  	_ =	swait.ge @!p0 [sflag:s0], s1  }
0x71: {  	s1 =	ssub.s32 @!p0 $0x0, s1;
	[sflag:s0] =	ssyncset.done @!p0 $0x0  }
0x72: {  	[sflag:s0] =	ssyncadd.s32 @!p0 s1  }
0x73: {  	[bflag:$0x3] =	sbarrier.arrive $0xFFFF  }
0x74: {  	_ =	shalt  }

</sc_bundles>
